<compile_context>
chip_gen: v7x
topology: tpu7x:2x2x1
jax: 0.10.2.dev20260603
libtpu: 0.0.44.dev20260713+nightly
codegen_flags: <defaults>
</compile_context>

<pallas_src>
import functools

import jax
import jax.numpy as jnp
from jax import lax
from jax.experimental import pallas as pl
from jax.experimental.pallas import tpu as pltpu
from jax.experimental.pallas import tpu_sc as plsc

_CHUNK = 128
_NBUF = 5
_K = 2


@functools.lru_cache(maxsize=None)
def _make_gather(total, V, D, NC, NS):
    NW = NC * NS
    assert total % (NW * _CHUNK) == 0
    nstep = total // (NW * _CHUNK)
    b_per_w = nstep * _CHUNK
    mesh = plsc.VectorSubcoreMesh(core_axis_name="c", subcore_axis_name="s")

    @functools.partial(
        pl.kernel,
        out_type=jax.ShapeDtypeStruct((total, D), jnp.float32),
        mesh=mesh,
        scratch_types=[
            pltpu.VMEM((nstep, _CHUNK), jnp.int32),
            pltpu.VMEM_SHARED((V, D), jnp.float32),
            *[pltpu.VMEM((_CHUNK, D), jnp.float32) for _ in range(_NBUF)],
            *[pltpu.SemaphoreType.DMA for _ in range(2 * _NBUF)],
        ],
    )
    def body(table_hbm, idx_hbm, out_hbm, idx_v, table_s, *rest):
        rows = rest[:_NBUF]
        gsems = rest[_NBUF : 2 * _NBUF]
        osems = rest[2 * _NBUF :]
        sid = lax.axis_index("s")
        wid = sid * NC + lax.axis_index("c")
        base = wid * b_per_w
        @pl.when(sid == 0)
        def _():
            pltpu.sync_copy(table_hbm, table_s)

        pltpu.sync_copy(idx_hbm.at[wid], idx_v)
        plsc.subcore_barrier()

        for m in range(_K):
            pltpu.async_copy(table_s.at[idx_v.at[m]], rows[m], gsems[m])

        @pl.loop(0, nstep, step=_NBUF)
        def _(j0):
            for b in range(_NBUF):
                j = j0 + b
                m = j + _K
                bm = (b + _K) % _NBUF

                @pl.when(m < nstep)
                def _():
                    @pl.when(j >= _NBUF - _K)
                    def _():
                        pltpu.make_async_copy(
                            rows[bm],
                            out_hbm.at[pl.ds(base, _CHUNK)],
                            osems[bm],
                        ).wait()

                    pltpu.async_copy(table_s.at[idx_v.at[m]], rows[bm], gsems[bm])

                pltpu.make_async_copy(
                    table_s.at[idx_v.at[b]], rows[b], gsems[b]
                ).wait()
                pltpu.async_copy(
                    rows[b], out_hbm.at[pl.ds(base + j * _CHUNK, _CHUNK)], osems[b]
                )

        for b in range(_NBUF):
            pltpu.make_async_copy(
                rows[b], out_hbm.at[pl.ds(base, _CHUNK)], osems[b]
            ).wait()

    return body


def kernel(input, table):
    B, H = input.shape
    V, D = table.shape
    info = plsc.get_sparse_core_info()
    NC, NS = info.num_cores, info.num_subcores
    total = B * H
    idx = input.astype(jnp.int32).reshape(NC * NS, total // (NC * NS * _CHUNK), _CHUNK)
    out = _make_gather(total, V, D, NC, NS)(table, idx)
    return out.reshape(B, H, D)

# --- scband reference (transcript-rebuilt; emitter-appended) ---
"""Pipeline reference for scband-encoder-25924422598740 (READ-ONLY COPY).

The authoritative reference and input builder live on the scoring server;
editing this copy changes nothing except your own understanding.
"""

import jax, jax.numpy as jnp
import numpy as np

VOCAB = 1000
EMB = 128
BATCH = 4096
HIST = 200

def setup_inputs(seed: int = 0) -> dict:
    key = jax.random.key(seed)
    k1, k2 = jax.random.split(key)
    inp = jax.random.randint(k1, (BATCH, HIST), 0, VOCAB)
    # Encoder.init_weights: uniform in [-0.1, 0.1]
    table = jax.random.uniform(k2, (VOCAB, EMB), dtype=jnp.float32, minval=-0.1, maxval=0.1)
    return {"input": inp, "table": table}

def reference(input, table):
    # Encoder.forward: self.embedding(input)
    return jnp.take(table, input, axis=0)

if __name__ == "__main__":
    import jax
    _d = setup_inputs()
    print(jax.jit(kernel)(*tuple(_d.values())))

</pallas_src>

<mosaic_0001>
#map = affine_map<(d0, d1) -> (0, 0)>
#map1 = affine_map<(d0, d1) -> (0, 0, 0)>
module attributes {stable_mosaic.version = 14 : i64} {
  func.func @body(%arg0: i32, %arg1: i32, %arg2: memref<1000x128xf32, #tpu.memory_space<hbm>>, %arg3: memref<32x200x128xi32, #tpu.memory_space<hbm>>, %arg4: memref<819200x128xf32, #tpu.memory_space<hbm>>, %arg5: memref<200x128xi32, #tpu.memory_space<vmem>>, %arg6: memref<1000x128xf32, #tpu.memory_space<vmem_shared>>, %arg7: memref<128x128xf32, #tpu.memory_space<vmem>>, %arg8: memref<128x128xf32, #tpu.memory_space<vmem>>, %arg9: memref<128x128xf32, #tpu.memory_space<vmem>>, %arg10: memref<128x128xf32, #tpu.memory_space<vmem>>, %arg11: memref<128x128xf32, #tpu.memory_space<vmem>>, %arg12: memref<!tpu.dma_semaphore, #tpu.memory_space<semaphore_mem>>, %arg13: memref<!tpu.dma_semaphore, #tpu.memory_space<semaphore_mem>>, %arg14: memref<!tpu.dma_semaphore, #tpu.memory_space<semaphore_mem>>, %arg15: memref<!tpu.dma_semaphore, #tpu.memory_space<semaphore_mem>>, %arg16: memref<!tpu.dma_semaphore, #tpu.memory_space<semaphore_mem>>, %arg17: memref<!tpu.dma_semaphore, #tpu.memory_space<semaphore_mem>>, %arg18: memref<!tpu.dma_semaphore, #tpu.memory_space<semaphore_mem>>, %arg19: memref<!tpu.dma_semaphore, #tpu.memory_space<semaphore_mem>>, %arg20: memref<!tpu.dma_semaphore, #tpu.memory_space<semaphore_mem>>, %arg21: memref<!tpu.dma_semaphore, #tpu.memory_space<semaphore_mem>>) attributes {dimension_semantics = [#tpu.dimension_semantics<core_parallel>, #tpu.dimension_semantics<subcore_parallel>], iteration_bounds = array<i64: 2, 16>, scalar_prefetch = 0 : i64, scratch_operands = 17 : i64, tpu.core_type = #tpu.core_type<sc_vector_subcore>, window_params = [{transform_indices = #map}, {transform_indices = #map1}, {transform_indices = #map}]} {
    %mul3A = arith.constant 2 : i32
    %mul3A_0 = arith.muli %arg1, %mul3A : i32
    %add3A = arith.addi %mul3A_0, %arg0 : i32
    %mul3A_1 = arith.constant 25600 : i32
    %mul3A_2 = arith.muli %add3A, %mul3A_1 : i32
    %eq3A = arith.constant 0 : i32
    %eq3A_3 = arith.cmpi eq, %arg1, %eq3A : i32
    %convert_element_type3A = arith.extui %eq3A_3 : i1 to i32
    %cond3A = arith.constant 0 : i32
    %cond3A_4 = arith.cmpi ne, %convert_element_type3A, %cond3A : i32
    scf.if %cond3A_4 {
      "tpu.region"() ({
        %run_scoped3A = tpu.sem_alloc : memref<!tpu.dma_semaphore, #tpu.memory_space<semaphore_mem>>
        tpu.enqueue_dma source(%arg2 : memref<1000x128xf32, #tpu.memory_space<hbm>>) target(%arg6 : memref<1000x128xf32, #tpu.memory_space<vmem_shared>>) target_semaphore(%run_scoped3A : memref<!tpu.dma_semaphore, #tpu.memory_space<semaphore_mem>>)
        tpu.wait_dma2 semaphore(%run_scoped3A : memref<!tpu.dma_semaphore, #tpu.memory_space<semaphore_mem>>) src(%arg2 : memref<1000x128xf32, #tpu.memory_space<hbm>>) dst(%arg6 : memref<1000x128xf32, #tpu.memory_space<vmem_shared>>)
        tpu.yield
      }) : () -> ()
    } else {
    }
    "tpu.region"() ({
      %run_scoped3A = tpu.sem_alloc : memref<!tpu.dma_semaphore, #tpu.memory_space<semaphore_mem>>
      %dma_start3A_41 = arith.constant 0 : i32
      %dma_start3A_42 = arith.constant 0 : i32
      %dma_start3A_43 = tpu.memref_slice %arg3[%add3A, %dma_start3A_41, %dma_start3A_42] : memref<32x200x128xi32, #tpu.memory_space<hbm>> -> memref<1x200x128xi32, #tpu.memory_space<hbm>>
      %dma_start3A_44 = tpu.memref_squeeze %dma_start3A_43 : memref<1x200x128xi32, #tpu.memory_space<hbm>> -> memref<200x128xi32, #tpu.memory_space<hbm>>
      %dma_start3A_45 = arith.constant 0 : i32
      %dma_start3A_46 = arith.constant 0 : i32
      %dma_start3A_47 = tpu.memref_slice %arg3[%add3A, %dma_start3A_45, %dma_start3A_46] : memref<32x200x128xi32, #tpu.memory_space<hbm>> -> memref<1x200x128xi32, #tpu.memory_space<hbm>>
      %dma_start3A_48 = tpu.memref_squeeze %dma_start3A_47 : memref<1x200x128xi32, #tpu.memory_space<hbm>> -> memref<200x128xi32, #tpu.memory_space<hbm>>
      tpu.enqueue_dma source(%dma_start3A_48 : memref<200x128xi32, #tpu.memory_space<hbm>>) target(%arg5 : memref<200x128xi32, #tpu.memory_space<vmem>>) target_semaphore(%run_scoped3A : memref<!tpu.dma_semaphore, #tpu.memory_space<semaphore_mem>>)
      %dma_wait3A_49 = arith.constant 0 : i32
      %dma_wait3A_50 = arith.constant 0 : i32
      %dma_wait3A_51 = tpu.memref_slice %arg3[%add3A, %dma_wait3A_49, %dma_wait3A_50] : memref<32x200x128xi32, #tpu.memory_space<hbm>> -> memref<1x200x128xi32, #tpu.memory_space<hbm>>
      %dma_wait3A_52 = tpu.memref_squeeze %dma_wait3A_51 : memref<1x200x128xi32, #tpu.memory_space<hbm>> -> memref<200x128xi32, #tpu.memory_space<hbm>>
      %dma_wait3A_53 = arith.constant 0 : i32
      %dma_wait3A_54 = arith.constant 0 : i32
      %dma_wait3A_55 = tpu.memref_slice %arg3[%add3A, %dma_wait3A_53, %dma_wait3A_54] : memref<32x200x128xi32, #tpu.memory_space<hbm>> -> memref<1x200x128xi32, #tpu.memory_space<hbm>>
      %dma_wait3A_56 = tpu.memref_squeeze %dma_wait3A_55 : memref<1x200x128xi32, #tpu.memory_space<hbm>> -> memref<200x128xi32, #tpu.memory_space<hbm>>
      tpu.wait_dma2 semaphore(%run_scoped3A : memref<!tpu.dma_semaphore, #tpu.memory_space<semaphore_mem>>) src(%dma_wait3A_56 : memref<200x128xi32, #tpu.memory_space<hbm>>) dst(%arg5 : memref<200x128xi32, #tpu.memory_space<vmem>>)
      tpu.yield
    }) : () -> ()
    %barrier3A = arith.constant 0 : index
    tpu.barrier barrier_id(%barrier3A)
    %dma_start3A = arith.constant 0 : i32
    %dma_start3A_5 = arith.constant 0 : i32
    %dma_start3A_6 = tpu.memref_slice %arg5[%dma_start3A, %dma_start3A_5] : memref<200x128xi32, #tpu.memory_space<vmem>> -> memref<1x128xi32, #tpu.memory_space<vmem>>
    %dma_start3A_7 = tpu.memref_squeeze %dma_start3A_6 : memref<1x128xi32, #tpu.memory_space<vmem>> -> memref<128xi32, #tpu.memory_space<vmem>>
    %dma_start3A_8 = arith.constant 0 : i32
    %dma_start3A_9 = arith.constant 0 : i32
    %dma_start3A_10 = tpu.memref_slice %arg6[%dma_start3A_8, %dma_start3A_9] : memref<1000x128xf32, #tpu.memory_space<vmem_shared>> -> memref<1000x128xf32, #tpu.memory_space<vmem_shared>>
    tpu.enqueue_indirect_dma source(%dma_start3A_10 : memref<1000x128xf32, #tpu.memory_space<vmem_shared>>) target(%arg7 : memref<128x128xf32, #tpu.memory_space<vmem>>) offsets(%dma_start3A_7 : memref<128xi32, #tpu.memory_space<vmem>>) semaphore(%arg12 : memref<!tpu.dma_semaphore, #tpu.memory_space<semaphore_mem>>)
    %dma_start3A_11 = arith.constant 1 : i32
    %dma_start3A_12 = arith.constant 0 : i32
    %dma_start3A_13 = tpu.memref_slice %arg5[%dma_start3A_11, %dma_start3A_12] : memref<200x128xi32, #tpu.memory_space<vmem>> -> memref<1x128xi32, #tpu.memory_space<vmem>>
    %dma_start3A_14 = tpu.memref_squeeze %dma_start3A_13 : memref<1x128xi32, #tpu.memory_space<vmem>> -> memref<128xi32, #tpu.memory_space<vmem>>
    %dma_start3A_15 = arith.constant 0 : i32
    %dma_start3A_16 = arith.constant 0 : i32
    %dma_start3A_17 = tpu.memref_slice %arg6[%dma_start3A_15, %dma_start3A_16] : memref<1000x128xf32, #tpu.memory_space<vmem_shared>> -> memref<1000x128xf32, #tpu.memory_space<vmem_shared>>
    tpu.enqueue_indirect_dma source(%dma_start3A_17 : memref<1000x128xf32, #tpu.memory_space<vmem_shared>>) target(%arg8 : memref<128x128xf32, #tpu.memory_space<vmem>>) offsets(%dma_start3A_14 : memref<128xi32, #tpu.memory_space<vmem>>) semaphore(%arg13 : memref<!tpu.dma_semaphore, #tpu.memory_space<semaphore_mem>>)
    %scan3A = arith.constant 0 : i32
    %scan3A_18 = arith.constant 40 : i32
    %scan3A_19 = arith.addi %scan3A, %scan3A_18 : i32
    %scan3A_20 = arith.constant 1 : i32
    scf.for %scan3A_41 = %scan3A to %scan3A_19 step %scan3A_20  : i32 {
      %mul3A_42 = arith.constant 5 : i32
      %mul3A_43 = arith.muli %scan3A_41, %mul3A_42 : i32
      %add3A_44 = arith.constant 0 : i32
      %add3A_45 = arith.addi %add3A_44, %mul3A_43 : i32
      %add3A_46 = arith.constant 0 : i32
      %add3A_47 = arith.addi %add3A_45, %add3A_46 : i32
      %add3A_48 = arith.constant 2 : i32
      %add3A_49 = arith.addi %add3A_47, %add3A_48 : i32
      %lt3A = arith.constant 200 : i32
      %lt3A_50 = arith.cmpi slt, %add3A_49, %lt3A : i32
      %convert_element_type3A_51 = arith.extui %lt3A_50 : i1 to i32
      %cond3A_52 = arith.constant 0 : i32
      %cond3A_53 = arith.cmpi ne, %convert_element_type3A_51, %cond3A_52 : i32
      scf.if %cond3A_53 {
        %ge3A = arith.constant 3 : i32
        %ge3A_160 = arith.cmpi sge, %add3A_47, %ge3A : i32
        %convert_element_type3A_161 = arith.extui %ge3A_160 : i1 to i32
        %cond3A_162 = arith.constant 0 : i32
        %cond3A_163 = arith.cmpi ne, %convert_element_type3A_161, %cond3A_162 : i32
        scf.if %cond3A_163 {
          %dma_wait3A_170 = arith.constant 0 : i32
          %dma_wait3A_171 = tpu.memref_slice %arg4[%mul3A_2, %dma_wait3A_170] : memref<819200x128xf32, #tpu.memory_space<hbm>> -> memref<128x128xf32, #tpu.memory_space<hbm>>
          %dma_wait3A_172 = arith.constant 0 : i32
          %dma_wait3A_173 = tpu.memref_slice %arg4[%mul3A_2, %dma_wait3A_172] : memref<819200x128xf32, #tpu.memory_space<hbm>> -> memref<128x128xf32, #tpu.memory_space<hbm>>
          tpu.wait_dma2 semaphore(%arg19 : memref<!tpu.dma_semaphore, #tpu.memory_space<semaphore_mem>>) src(%arg9 : memref<128x128xf32, #tpu.memory_space<vmem>>) dst(%dma_wait3A_173 : memref<128x128xf32, #tpu.memory_space<hbm>>)
        } else {
        }
        %dma_start3A_164 = arith.constant 0 : i32
        %dma_start3A_165 = tpu.memref_slice %arg5[%add3A_49, %dma_start3A_164] : memref<200x128xi32, #tpu.memory_space<vmem>> -> memref<1x128xi32, #tpu.memory_space<vmem>>
        %dma_start3A_166 = tpu.memref_squeeze %dma_start3A_165 : memref<1x128xi32, #tpu.memory_space<vmem>> -> memref<128xi32, #tpu.memory_space<vmem>>
        %dma_start3A_167 = arith.constant 0 : i32
        %dma_start3A_168 = arith.constant 0 : i32
        %dma_start3A_169 = tpu.memref_slice %arg6[%dma_start3A_167, %dma_start3A_168] : memref<1000x128xf32, #tpu.memory_space<vmem_shared>> -> memref<1000x128xf32, #tpu.memory_space<vmem_shared>>
        tpu.enqueue_indirect_dma source(%dma_start3A_169 : memref<1000x128xf32, #tpu.memory_space<vmem_shared>>) target(%arg9 : memref<128x128xf32, #tpu.memory_space<vmem>>) offsets(%dma_start3A_166 : memref<128xi32, #tpu.memory_space<vmem>>) semaphore(%arg14 : memref<!tpu.dma_semaphore, #tpu.memory_space<semaphore_mem>>)
      } else {
      }
      %dma_wait3A_54 = arith.constant 0 : i32
      %dma_wait3A_55 = arith.constant 0 : i32
      %dma_wait3A_56 = tpu.memref_slice %arg5[%dma_wait3A_54, %dma_wait3A_55] : memref<200x128xi32, #tpu.memory_space<vmem>> -> memref<1x128xi32, #tpu.memory_space<vmem>>
      %dma_wait3A_57 = tpu.memref_squeeze %dma_wait3A_56 : memref<1x128xi32, #tpu.memory_space<vmem>> -> memref<128xi32, #tpu.memory_space<vmem>>
      %dma_wait3A_58 = arith.constant 0 : i32
      %dma_wait3A_59 = arith.constant 0 : i32
      %dma_wait3A_60 = tpu.memref_slice %arg6[%dma_wait3A_58, %dma_wait3A_59] : memref<1000x128xf32, #tpu.memory_space<vmem_shared>> -> memref<1000x128xf32, #tpu.memory_space<vmem_shared>>
      tpu.wait_indirect_dma semaphore(%arg12 : memref<!tpu.dma_semaphore, #tpu.memory_space<semaphore_mem>>) src(%dma_wait3A_60 : memref<1000x128xf32, #tpu.memory_space<vmem_shared>>) dst(%arg7 : memref<128x128xf32, #tpu.memory_space<vmem>>)
      %mul3A_61 = arith.constant 128 : i32
      %mul3A_62 = arith.muli %add3A_47, %mul3A_61 : i32
      %add3A_63 = arith.addi %mul3A_2, %mul3A_62 : i32
      %dma_start3A_64 = arith.constant 0 : i32
      %dma_start3A_65 = tpu.memref_slice %arg4[%add3A_63, %dma_start3A_64] : memref<819200x128xf32, #tpu.memory_space<hbm>> -> memref<128x128xf32, #tpu.memory_space<hbm>>
      %dma_start3A_66 = arith.constant 0 : i32
      %dma_start3A_67 = tpu.memref_slice %arg4[%add3A_63, %dma_start3A_66] : memref<819200x128xf32, #tpu.memory_space<hbm>> -> memref<128x128xf32, #tpu.memory_space<hbm>>
      tpu.enqueue_dma source(%arg7 : memref<128x128xf32, #tpu.memory_space<vmem>>) target(%dma_start3A_67 : memref<128x128xf32, #tpu.memory_space<hbm>>) target_semaphore(%arg17 : memref<!tpu.dma_semaphore, #tpu.memory_space<semaphore_mem>>)
      %add3A_68 = arith.constant 1 : i32
      %add3A_69 = arith.addi %add3A_45, %add3A_68 : i32
      %add3A_70 = arith.constant 2 : i32
      %add3A_71 = arith.addi %add3A_69, %add3A_70 : i32
      %lt3A_72 = arith.constant 200 : i32
      %lt3A_73 = arith.cmpi slt, %add3A_71, %lt3A_72 : i32
      %convert_element_type3A_74 = arith.extui %lt3A_73 : i1 to i32
      %cond3A_75 = arith.constant 0 : i32
      %cond3A_76 = arith.cmpi ne, %convert_element_type3A_74, %cond3A_75 : i32
      scf.if %cond3A_76 {
        %ge3A = arith.constant 3 : i32
        %ge3A_160 = arith.cmpi sge, %add3A_69, %ge3A : i32
        %convert_element_type3A_161 = arith.extui %ge3A_160 : i1 to i32
        %cond3A_162 = arith.constant 0 : i32
        %cond3A_163 = arith.cmpi ne, %convert_element_type3A_161, %cond3A_162 : i32
        scf.if %cond3A_163 {
          %dma_wait3A_170 = arith.constant 0 : i32
          %dma_wait3A_171 = tpu.memref_slice %arg4[%mul3A_2, %dma_wait3A_170] : memref<819200x128xf32, #tpu.memory_space<hbm>> -> memref<128x128xf32, #tpu.memory_space<hbm>>
          %dma_wait3A_172 = arith.constant 0 : i32
          %dma_wait3A_173 = tpu.memref_slice %arg4[%mul3A_2, %dma_wait3A_172] : memref<819200x128xf32, #tpu.memory_space<hbm>> -> memref<128x128xf32, #tpu.memory_space<hbm>>
          tpu.wait_dma2 semaphore(%arg20 : memref<!tpu.dma_semaphore, #tpu.memory_space<semaphore_mem>>) src(%arg10 : memref<128x128xf32, #tpu.memory_space<vmem>>) dst(%dma_wait3A_173 : memref<128x128xf32, #tpu.memory_space<hbm>>)
        } else {
        }
        %dma_start3A_164 = arith.constant 0 : i32
        %dma_start3A_165 = tpu.memref_slice %arg5[%add3A_71, %dma_start3A_164] : memref<200x128xi32, #tpu.memory_space<vmem>> -> memref<1x128xi32, #tpu.memory_space<vmem>>
        %dma_start3A_166 = tpu.memref_squeeze %dma_start3A_165 : memref<1x128xi32, #tpu.memory_space<vmem>> -> memref<128xi32, #tpu.memory_space<vmem>>
        %dma_start3A_167 = arith.constant 0 : i32
        %dma_start3A_168 = arith.constant 0 : i32
        %dma_start3A_169 = tpu.memref_slice %arg6[%dma_start3A_167, %dma_start3A_168] : memref<1000x128xf32, #tpu.memory_space<vmem_shared>> -> memref<1000x128xf32, #tpu.memory_space<vmem_shared>>
        tpu.enqueue_indirect_dma source(%dma_start3A_169 : memref<1000x128xf32, #tpu.memory_space<vmem_shared>>) target(%arg10 : memref<128x128xf32, #tpu.memory_space<vmem>>) offsets(%dma_start3A_166 : memref<128xi32, #tpu.memory_space<vmem>>) semaphore(%arg15 : memref<!tpu.dma_semaphore, #tpu.memory_space<semaphore_mem>>)
      } else {
      }
      %dma_wait3A_77 = arith.constant 1 : i32
      %dma_wait3A_78 = arith.constant 0 : i32
      %dma_wait3A_79 = tpu.memref_slice %arg5[%dma_wait3A_77, %dma_wait3A_78] : memref<200x128xi32, #tpu.memory_space<vmem>> -> memref<1x128xi32, #tpu.memory_space<vmem>>
      %dma_wait3A_80 = tpu.memref_squeeze %dma_wait3A_79 : memref<1x128xi32, #tpu.memory_space<vmem>> -> memref<128xi32, #tpu.memory_space<vmem>>
      %dma_wait3A_81 = arith.constant 0 : i32
      %dma_wait3A_82 = arith.constant 0 : i32
      %dma_wait3A_83 = tpu.memref_slice %arg6[%dma_wait3A_81, %dma_wait3A_82] : memref<1000x128xf32, #tpu.memory_space<vmem_shared>> -> memref<1000x128xf32, #tpu.memory_space<vmem_shared>>
      tpu.wait_indirect_dma semaphore(%arg13 : memref<!tpu.dma_semaphore, #tpu.memory_space<semaphore_mem>>) src(%dma_wait3A_83 : memref<1000x128xf32, #tpu.memory_space<vmem_shared>>) dst(%arg8 : memref<128x128xf32, #tpu.memory_space<vmem>>)
      %mul3A_84 = arith.constant 128 : i32
      %mul3A_85 = arith.muli %add3A_69, %mul3A_84 : i32
      %add3A_86 = arith.addi %mul3A_2, %mul3A_85 : i32
      %dma_start3A_87 = arith.constant 0 : i32
      %dma_start3A_88 = tpu.memref_slice %arg4[%add3A_86, %dma_start3A_87] : memref<819200x128xf32, #tpu.memory_space<hbm>> -> memref<128x128xf32, #tpu.memory_space<hbm>>
      %dma_start3A_89 = arith.constant 0 : i32
      %dma_start3A_90 = tpu.memref_slice %arg4[%add3A_86, %dma_start3A_89] : memref<819200x128xf32, #tpu.memory_space<hbm>> -> memref<128x128xf32, #tpu.memory_space<hbm>>
      tpu.enqueue_dma source(%arg8 : memref<128x128xf32, #tpu.memory_space<vmem>>) target(%dma_start3A_90 : memref<128x128xf32, #tpu.memory_space<hbm>>) target_semaphore(%arg18 : memref<!tpu.dma_semaphore, #tpu.memory_space<semaphore_mem>>)
      %add3A_91 = arith.constant 2 : i32
      %add3A_92 = arith.addi %add3A_45, %add3A_91 : i32
      %add3A_93 = arith.constant 2 : i32
      %add3A_94 = arith.addi %add3A_92, %add3A_93 : i32
      %lt3A_95 = arith.constant 200 : i32
      %lt3A_96 = arith.cmpi slt, %add3A_94, %lt3A_95 : i32
      %convert_element_type3A_97 = arith.extui %lt3A_96 : i1 to i32
      %cond3A_98 = arith.constant 0 : i32
      %cond3A_99 = arith.cmpi ne, %convert_element_type3A_97, %cond3A_98 : i32
      scf.if %cond3A_99 {
        %ge3A = arith.constant 3 : i32
        %ge3A_160 = arith.cmpi sge, %add3A_92, %ge3A : i32
        %convert_element_type3A_161 = arith.extui %ge3A_160 : i1 to i32
        %cond3A_162 = arith.constant 0 : i32
        %cond3A_163 = arith.cmpi ne, %convert_element_type3A_161, %cond3A_162 : i32
        scf.if %cond3A_163 {
          %dma_wait3A_170 = arith.constant 0 : i32
          %dma_wait3A_171 = tpu.memref_slice %arg4[%mul3A_2, %dma_wait3A_170] : memref<819200x128xf32, #tpu.memory_space<hbm>> -> memref<128x128xf32, #tpu.memory_space<hbm>>
          %dma_wait3A_172 = arith.constant 0 : i32
          %dma_wait3A_173 = tpu.memref_slice %arg4[%mul3A_2, %dma_wait3A_172] : memref<819200x128xf32, #tpu.memory_space<hbm>> -> memref<128x128xf32, #tpu.memory_space<hbm>>
          tpu.wait_dma2 semaphore(%arg21 : memref<!tpu.dma_semaphore, #tpu.memory_space<semaphore_mem>>) src(%arg11 : memref<128x128xf32, #tpu.memory_space<vmem>>) dst(%dma_wait3A_173 : memref<128x128xf32, #tpu.memory_space<hbm>>)
        } else {
        }
        %dma_start3A_164 = arith.constant 0 : i32
        %dma_start3A_165 = tpu.memref_slice %arg5[%add3A_94, %dma_start3A_164] : memref<200x128xi32, #tpu.memory_space<vmem>> -> memref<1x128xi32, #tpu.memory_space<vmem>>
        %dma_start3A_166 = tpu.memref_squeeze %dma_start3A_165 : memref<1x128xi32, #tpu.memory_space<vmem>> -> memref<128xi32, #tpu.memory_space<vmem>>
        %dma_start3A_167 = arith.constant 0 : i32
        %dma_start3A_168 = arith.constant 0 : i32
        %dma_start3A_169 = tpu.memref_slice %arg6[%dma_start3A_167, %dma_start3A_168] : memref<1000x128xf32, #tpu.memory_space<vmem_shared>> -> memref<1000x128xf32, #tpu.memory_space<vmem_shared>>
        tpu.enqueue_indirect_dma source(%dma_start3A_169 : memref<1000x128xf32, #tpu.memory_space<vmem_shared>>) target(%arg11 : memref<128x128xf32, #tpu.memory_space<vmem>>) offsets(%dma_start3A_166 : memref<128xi32, #tpu.memory_space<vmem>>) semaphore(%arg16 : memref<!tpu.dma_semaphore, #tpu.memory_space<semaphore_mem>>)
      } else {
      }
      %dma_wait3A_100 = arith.constant 2 : i32
      %dma_wait3A_101 = arith.constant 0 : i32
      %dma_wait3A_102 = tpu.memref_slice %arg5[%dma_wait3A_100, %dma_wait3A_101] : memref<200x128xi32, #tpu.memory_space<vmem>> -> memref<1x128xi32, #tpu.memory_space<vmem>>
      %dma_wait3A_103 = tpu.memref_squeeze %dma_wait3A_102 : memref<1x128xi32, #tpu.memory_space<vmem>> -> memref<128xi32, #tpu.memory_space<vmem>>
      %dma_wait3A_104 = arith.constant 0 : i32
      %dma_wait3A_105 = arith.constant 0 : i32
      %dma_wait3A_106 = tpu.memref_slice %arg6[%dma_wait3A_104, %dma_wait3A_105] : memref<1000x128xf32, #tpu.memory_space<vmem_shared>> -> memref<1000x128xf32, #tpu.memory_space<vmem_shared>>
      tpu.wait_indirect_dma semaphore(%arg14 : memref<!tpu.dma_semaphore, #tpu.memory_space<semaphore_mem>>) src(%dma_wait3A_106 : memref<1000x128xf32, #tpu.memory_space<vmem_shared>>) dst(%arg9 : memref<128x128xf32, #tpu.memory_space<vmem>>)
      %mul3A_107 = arith.constant 128 : i32
      %mul3A_108 = arith.muli %add3A_92, %mul3A_107 : i32
      %add3A_109 = arith.addi %mul3A_2, %mul3A_108 : i32
      %dma_start3A_110 = arith.constant 0 : i32
      %dma_start3A_111 = tpu.memref_slice %arg4[%add3A_109, %dma_start3A_110] : memref<819200x128xf32, #tpu.memory_space<hbm>> -> memref<128x128xf32, #tpu.memory_space<hbm>>
      %dma_start3A_112 = arith.constant 0 : i32
      %dma_start3A_113 = tpu.memref_slice %arg4[%add3A_109, %dma_start3A_112] : memref<819200x128xf32, #tpu.memory_space<hbm>> -> memref<128x128xf32, #tpu.memory_space<hbm>>
      tpu.enqueue_dma source(%arg9 : memref<128x128xf32, #tpu.memory_space<vmem>>) target(%dma_start3A_113 : memref<128x128xf32, #tpu.memory_space<hbm>>) target_semaphore(%arg19 : memref<!tpu.dma_semaphore, #tpu.memory_space<semaphore_mem>>)
      %add3A_114 = arith.constant 3 : i32
      %add3A_115 = arith.addi %add3A_45, %add3A_114 : i32
      %add3A_116 = arith.constant 2 : i32
      %add3A_117 = arith.addi %add3A_115, %add3A_116 : i32
      %lt3A_118 = arith.constant 200 : i32
      %lt3A_119 = arith.cmpi slt, %add3A_117, %lt3A_118 : i32
      %convert_element_type3A_120 = arith.extui %lt3A_119 : i1 to i32
      %cond3A_121 = arith.constant 0 : i32
      %cond3A_122 = arith.cmpi ne, %convert_element_type3A_120, %cond3A_121 : i32
      scf.if %cond3A_122 {
        %ge3A = arith.constant 3 : i32
        %ge3A_160 = arith.cmpi sge, %add3A_115, %ge3A : i32
        %convert_element_type3A_161 = arith.extui %ge3A_160 : i1 to i32
        %cond3A_162 = arith.constant 0 : i32
        %cond3A_163 = arith.cmpi ne, %convert_element_type3A_161, %cond3A_162 : i32
        scf.if %cond3A_163 {
          %dma_wait3A_170 = arith.constant 0 : i32
          %dma_wait3A_171 = tpu.memref_slice %arg4[%mul3A_2, %dma_wait3A_170] : memref<819200x128xf32, #tpu.memory_space<hbm>> -> memref<128x128xf32, #tpu.memory_space<hbm>>
          %dma_wait3A_172 = arith.constant 0 : i32
          %dma_wait3A_173 = tpu.memref_slice %arg4[%mul3A_2, %dma_wait3A_172] : memref<819200x128xf32, #tpu.memory_space<hbm>> -> memref<128x128xf32, #tpu.memory_space<hbm>>
          tpu.wait_dma2 semaphore(%arg17 : memref<!tpu.dma_semaphore, #tpu.memory_space<semaphore_mem>>) src(%arg7 : memref<128x128xf32, #tpu.memory_space<vmem>>) dst(%dma_wait3A_173 : memref<128x128xf32, #tpu.memory_space<hbm>>)
        } else {
        }
        %dma_start3A_164 = arith.constant 0 : i32
        %dma_start3A_165 = tpu.memref_slice %arg5[%add3A_117, %dma_start3A_164] : memref<200x128xi32, #tpu.memory_space<vmem>> -> memref<1x128xi32, #tpu.memory_space<vmem>>
        %dma_start3A_166 = tpu.memref_squeeze %dma_start3A_165 : memref<1x128xi32, #tpu.memory_space<vmem>> -> memref<128xi32, #tpu.memory_space<vmem>>
        %dma_start3A_167 = arith.constant 0 : i32
        %dma_start3A_168 = arith.constant 0 : i32
        %dma_start3A_169 = tpu.memref_slice %arg6[%dma_start3A_167, %dma_start3A_168] : memref<1000x128xf32, #tpu.memory_space<vmem_shared>> -> memref<1000x128xf32, #tpu.memory_space<vmem_shared>>
        tpu.enqueue_indirect_dma source(%dma_start3A_169 : memref<1000x128xf32, #tpu.memory_space<vmem_shared>>) target(%arg7 : memref<128x128xf32, #tpu.memory_space<vmem>>) offsets(%dma_start3A_166 : memref<128xi32, #tpu.memory_space<vmem>>) semaphore(%arg12 : memref<!tpu.dma_semaphore, #tpu.memory_space<semaphore_mem>>)
      } else {
      }
      %dma_wait3A_123 = arith.constant 3 : i32
      %dma_wait3A_124 = arith.constant 0 : i32
      %dma_wait3A_125 = tpu.memref_slice %arg5[%dma_wait3A_123, %dma_wait3A_124] : memref<200x128xi32, #tpu.memory_space<vmem>> -> memref<1x128xi32, #tpu.memory_space<vmem>>
      %dma_wait3A_126 = tpu.memref_squeeze %dma_wait3A_125 : memref<1x128xi32, #tpu.memory_space<vmem>> -> memref<128xi32, #tpu.memory_space<vmem>>
      %dma_wait3A_127 = arith.constant 0 : i32
      %dma_wait3A_128 = arith.constant 0 : i32
      %dma_wait3A_129 = tpu.memref_slice %arg6[%dma_wait3A_127, %dma_wait3A_128] : memref<1000x128xf32, #tpu.memory_space<vmem_shared>> -> memref<1000x128xf32, #tpu.memory_space<vmem_shared>>
      tpu.wait_indirect_dma semaphore(%arg15 : memref<!tpu.dma_semaphore, #tpu.memory_space<semaphore_mem>>) src(%dma_wait3A_129 : memref<1000x128xf32, #tpu.memory_space<vmem_shared>>) dst(%arg10 : memref<128x128xf32, #tpu.memory_space<vmem>>)
      %mul3A_130 = arith.constant 128 : i32
      %mul3A_131 = arith.muli %add3A_115, %mul3A_130 : i32
      %add3A_132 = arith.addi %mul3A_2, %mul3A_131 : i32
      %dma_start3A_133 = arith.constant 0 : i32
      %dma_start3A_134 = tpu.memref_slice %arg4[%add3A_132, %dma_start3A_133] : memref<819200x128xf32, #tpu.memory_space<hbm>> -> memref<128x128xf32, #tpu.memory_space<hbm>>
      %dma_start3A_135 = arith.constant 0 : i32
      %dma_start3A_136 = tpu.memref_slice %arg4[%add3A_132, %dma_start3A_135] : memref<819200x128xf32, #tpu.memory_space<hbm>> -> memref<128x128xf32, #tpu.memory_space<hbm>>
      tpu.enqueue_dma source(%arg10 : memref<128x128xf32, #tpu.memory_space<vmem>>) target(%dma_start3A_136 : memref<128x128xf32, #tpu.memory_space<hbm>>) target_semaphore(%arg20 : memref<!tpu.dma_semaphore, #tpu.memory_space<semaphore_mem>>)
      %add3A_137 = arith.constant 4 : i32
      %add3A_138 = arith.addi %add3A_45, %add3A_137 : i32
      %add3A_139 = arith.constant 2 : i32
      %add3A_140 = arith.addi %add3A_138, %add3A_139 : i32
      %lt3A_141 = arith.constant 200 : i32
      %lt3A_142 = arith.cmpi slt, %add3A_140, %lt3A_141 : i32
      %convert_element_type3A_143 = arith.extui %lt3A_142 : i1 to i32
      %cond3A_144 = arith.constant 0 : i32
      %cond3A_145 = arith.cmpi ne, %convert_element_type3A_143, %cond3A_144 : i32
      scf.if %cond3A_145 {
        %ge3A = arith.constant 3 : i32
        %ge3A_160 = arith.cmpi sge, %add3A_138, %ge3A : i32
        %convert_element_type3A_161 = arith.extui %ge3A_160 : i1 to i32
        %cond3A_162 = arith.constant 0 : i32
        %cond3A_163 = arith.cmpi ne, %convert_element_type3A_161, %cond3A_162 : i32
        scf.if %cond3A_163 {
          %dma_wait3A_170 = arith.constant 0 : i32
          %dma_wait3A_171 = tpu.memref_slice %arg4[%mul3A_2, %dma_wait3A_170] : memref<819200x128xf32, #tpu.memory_space<hbm>> -> memref<128x128xf32, #tpu.memory_space<hbm>>
          %dma_wait3A_172 = arith.constant 0 : i32
          %dma_wait3A_173 = tpu.memref_slice %arg4[%mul3A_2, %dma_wait3A_172] : memref<819200x128xf32, #tpu.memory_space<hbm>> -> memref<128x128xf32, #tpu.memory_space<hbm>>
          tpu.wait_dma2 semaphore(%arg18 : memref<!tpu.dma_semaphore, #tpu.memory_space<semaphore_mem>>) src(%arg8 : memref<128x128xf32, #tpu.memory_space<vmem>>) dst(%dma_wait3A_173 : memref<128x128xf32, #tpu.memory_space<hbm>>)
        } else {
        }
        %dma_start3A_164 = arith.constant 0 : i32
        %dma_start3A_165 = tpu.memref_slice %arg5[%add3A_140, %dma_start3A_164] : memref<200x128xi32, #tpu.memory_space<vmem>> -> memref<1x128xi32, #tpu.memory_space<vmem>>
        %dma_start3A_166 = tpu.memref_squeeze %dma_start3A_165 : memref<1x128xi32, #tpu.memory_space<vmem>> -> memref<128xi32, #tpu.memory_space<vmem>>
        %dma_start3A_167 = arith.constant 0 : i32
        %dma_start3A_168 = arith.constant 0 : i32
        %dma_start3A_169 = tpu.memref_slice %arg6[%dma_start3A_167, %dma_start3A_168] : memref<1000x128xf32, #tpu.memory_space<vmem_shared>> -> memref<1000x128xf32, #tpu.memory_space<vmem_shared>>
        tpu.enqueue_indirect_dma source(%dma_start3A_169 : memref<1000x128xf32, #tpu.memory_space<vmem_shared>>) target(%arg8 : memref<128x128xf32, #tpu.memory_space<vmem>>) offsets(%dma_start3A_166 : memref<128xi32, #tpu.memory_space<vmem>>) semaphore(%arg13 : memref<!tpu.dma_semaphore, #tpu.memory_space<semaphore_mem>>)
      } else {
      }
      %dma_wait3A_146 = arith.constant 4 : i32
      %dma_wait3A_147 = arith.constant 0 : i32
      %dma_wait3A_148 = tpu.memref_slice %arg5[%dma_wait3A_146, %dma_wait3A_147] : memref<200x128xi32, #tpu.memory_space<vmem>> -> memref<1x128xi32, #tpu.memory_space<vmem>>
      %dma_wait3A_149 = tpu.memref_squeeze %dma_wait3A_148 : memref<1x128xi32, #tpu.memory_space<vmem>> -> memref<128xi32, #tpu.memory_space<vmem>>
      %dma_wait3A_150 = arith.constant 0 : i32
      %dma_wait3A_151 = arith.constant 0 : i32
      %dma_wait3A_152 = tpu.memref_slice %arg6[%dma_wait3A_150, %dma_wait3A_151] : memref<1000x128xf32, #tpu.memory_space<vmem_shared>> -> memref<1000x128xf32, #tpu.memory_space<vmem_shared>>
      tpu.wait_indirect_dma semaphore(%arg16 : memref<!tpu.dma_semaphore, #tpu.memory_space<semaphore_mem>>) src(%dma_wait3A_152 : memref<1000x128xf32, #tpu.memory_space<vmem_shared>>) dst(%arg11 : memref<128x128xf32, #tpu.memory_space<vmem>>)
      %mul3A_153 = arith.constant 128 : i32
      %mul3A_154 = arith.muli %add3A_138, %mul3A_153 : i32
      %add3A_155 = arith.addi %mul3A_2, %mul3A_154 : i32
      %dma_start3A_156 = arith.constant 0 : i32
      %dma_start3A_157 = tpu.memref_slice %arg4[%add3A_155, %dma_start3A_156] : memref<819200x128xf32, #tpu.memory_space<hbm>> -> memref<128x128xf32, #tpu.memory_space<hbm>>
      %dma_start3A_158 = arith.constant 0 : i32
      %dma_start3A_159 = tpu.memref_slice %arg4[%add3A_155, %dma_start3A_158] : memref<819200x128xf32, #tpu.memory_space<hbm>> -> memref<128x128xf32, #tpu.memory_space<hbm>>
      tpu.enqueue_dma source(%arg11 : memref<128x128xf32, #tpu.memory_space<vmem>>) target(%dma_start3A_159 : memref<128x128xf32, #tpu.memory_space<hbm>>) target_semaphore(%arg21 : memref<!tpu.dma_semaphore, #tpu.memory_space<semaphore_mem>>)
    }
    %scan3A_21 = arith.constant 40 : i32
    %dma_wait3A = arith.constant 0 : i32
    %dma_wait3A_22 = tpu.memref_slice %arg4[%mul3A_2, %dma_wait3A] : memref<819200x128xf32, #tpu.memory_space<hbm>> -> memref<128x128xf32, #tpu.memory_space<hbm>>
    %dma_wait3A_23 = arith.constant 0 : i32
    %dma_wait3A_24 = tpu.memref_slice %arg4[%mul3A_2, %dma_wait3A_23] : memref<819200x128xf32, #tpu.memory_space<hbm>> -> memref<128x128xf32, #tpu.memory_space<hbm>>
    tpu.wait_dma2 semaphore(%arg17 : memref<!tpu.dma_semaphore, #tpu.memory_space<semaphore_mem>>) src(%arg7 : memref<128x128xf32, #tpu.memory_space<vmem>>) dst(%dma_wait3A_24 : memref<128x128xf32, #tpu.memory_space<hbm>>)
    %dma_wait3A_25 = arith.constant 0 : i32
    %dma_wait3A_26 = tpu.memref_slice %arg4[%mul3A_2, %dma_wait3A_25] : memref<819200x128xf32, #tpu.memory_space<hbm>> -> memref<128x128xf32, #tpu.memory_space<hbm>>
    %dma_wait3A_27 = arith.constant 0 : i32
    %dma_wait3A_28 = tpu.memref_slice %arg4[%mul3A_2, %dma_wait3A_27] : memref<819200x128xf32, #tpu.memory_space<hbm>> -> memref<128x128xf32, #tpu.memory_space<hbm>>
    tpu.wait_dma2 semaphore(%arg18 : memref<!tpu.dma_semaphore, #tpu.memory_space<semaphore_mem>>) src(%arg8 : memref<128x128xf32, #tpu.memory_space<vmem>>) dst(%dma_wait3A_28 : memref<128x128xf32, #tpu.memory_space<hbm>>)
    %dma_wait3A_29 = arith.constant 0 : i32
    %dma_wait3A_30 = tpu.memref_slice %arg4[%mul3A_2, %dma_wait3A_29] : memref<819200x128xf32, #tpu.memory_space<hbm>> -> memref<128x128xf32, #tpu.memory_space<hbm>>
    %dma_wait3A_31 = arith.constant 0 : i32
    %dma_wait3A_32 = tpu.memref_slice %arg4[%mul3A_2, %dma_wait3A_31] : memref<819200x128xf32, #tpu.memory_space<hbm>> -> memref<128x128xf32, #tpu.memory_space<hbm>>
    tpu.wait_dma2 semaphore(%arg19 : memref<!tpu.dma_semaphore, #tpu.memory_space<semaphore_mem>>) src(%arg9 : memref<128x128xf32, #tpu.memory_space<vmem>>) dst(%dma_wait3A_32 : memref<128x128xf32, #tpu.memory_space<hbm>>)
    %dma_wait3A_33 = arith.constant 0 : i32
    %dma_wait3A_34 = tpu.memref_slice %arg4[%mul3A_2, %dma_wait3A_33] : memref<819200x128xf32, #tpu.memory_space<hbm>> -> memref<128x128xf32, #tpu.memory_space<hbm>>
    %dma_wait3A_35 = arith.constant 0 : i32
    %dma_wait3A_36 = tpu.memref_slice %arg4[%mul3A_2, %dma_wait3A_35] : memref<819200x128xf32, #tpu.memory_space<hbm>> -> memref<128x128xf32, #tpu.memory_space<hbm>>
    tpu.wait_dma2 semaphore(%arg20 : memref<!tpu.dma_semaphore, #tpu.memory_space<semaphore_mem>>) src(%arg10 : memref<128x128xf32, #tpu.memory_space<vmem>>) dst(%dma_wait3A_36 : memref<128x128xf32, #tpu.memory_space<hbm>>)
    %dma_wait3A_37 = arith.constant 0 : i32
    %dma_wait3A_38 = tpu.memref_slice %arg4[%mul3A_2, %dma_wait3A_37] : memref<819200x128xf32, #tpu.memory_space<hbm>> -> memref<128x128xf32, #tpu.memory_space<hbm>>
    %dma_wait3A_39 = arith.constant 0 : i32
    %dma_wait3A_40 = tpu.memref_slice %arg4[%mul3A_2, %dma_wait3A_39] : memref<819200x128xf32, #tpu.memory_space<hbm>> -> memref<128x128xf32, #tpu.memory_space<hbm>>
    tpu.wait_dma2 semaphore(%arg21 : memref<!tpu.dma_semaphore, #tpu.memory_space<semaphore_mem>>) src(%arg11 : memref<128x128xf32, #tpu.memory_space<vmem>>) dst(%dma_wait3A_40 : memref<128x128xf32, #tpu.memory_space<hbm>>)
    return
  }
}

</mosaic_0001>

<sc_bundles>
// kernel: kernel.3.cloned.1.call-start
scs
__scs_entry_jumppad:
0x0: {  	(pc) =	sbr.rel $0x88, $3  }
0x1: {  	(tag) =	ssettag $0x0;
	lr =	simm.s32 $0x1  }
0x2: {  	[smem:$0x3F9F] =	sst lr;
	_ =	strace $0xD0000000  }
0x3: {  	_ = 	snop  }
0x4: {  	_ = 	snop  }
0x5: {  	_ = 	snop  }
0x6: {  	_ = 	snop  }
0x7: {  	_ = 	snop  }
__scs_overlays_trampoline_lowered:
0x8: {  	[smem:$0x3FAE] =	sst s0  }
0x9: {  	[smem:$0x3FAF] =	sst s1  }
0xa: {  	[smem:$0x3FB0] =	sst s2  }
0xb: {  	[smem:$0x3FB1] =	sst s3  }
0xc: {  	[smem:$0x3FB2] =	sst s4  }
0xd: {  	[smem:$0x3FB3] =	sst s5  }
0xe: {  	[smem:$0x3FB4] =	sst s6  }
0xf: {  	[smem:$0x3FB5] =	sst s7  }
0x10: {  	[smem:$0x3FB6] =	sst s8  }
0x11: {  	[smem:$0x3FB7] =	sst s9;
	s0 =	simm.s32 @!p0 $0x0  }
0x12: {  	s1 =	sld [smem:$0x3F9D];
	s0 =	simm.s32 @p0 $0x1  }
0x13: {  	[smem:$0x3FB8] =	sst s0;
	s0 =	simm.s32 @!p1 $0x0  }
0x14: {  	s2 =	sld [smem:$0x3F9C];
	s0 =	simm.s32 @p1 $0x1  }
0x15: {  	[smem:$0x3FB9] =	sst s0;
	s0 =	simm.s32 @!p2 $0x0  }
0x16: {  	s3 =	sld [smem:$0x3FDB];
	s0 =	simm.s32 @p2 $0x1  }
0x17: {  	s4 =	simm.s32 $0x1BF5;
	[smem:$0x3FBB] =	sst s0  }
0x18: {  	s0 =	sld [smem:$0x3F9E];
	_ =	swait.ge [sflag:s4], $0x0  }
0x19: {  	s7 =	sld [smem:$0x3F9F]  }
0x1a: {  	s8 =	sadd.s32 $0xFFFFE003, lr  }
0x1b: {  	s9 =	sadd.s32 $0xFFFFFEF7, lr;
	s5 =	simm.s32 $0xFFFFFFFF;
	p2 =	slt.u32 s8, $0xFFFFF086  }
0x1c: {  	p1 =	slt.u32 s9, $0xF7A;
	s5 =	simm.s32 @!p2 $0x0  }
0x1d: {  	s5 =	simm.s32 @p1 $0x1;
	p0 =	seq.s32 s7, s2  }
0x1e: {  	s7 =	smul.u32 @!p0 $0xF7A, s2;
	p2 =	seq.s32 @!p0 s5, $0x0  }
0x1f: {  	s9 =	smul.u32 $0xF7A, s1;
	s8 =	simm.s32 @!p0 $0x1BF5;
	p2 =	por !p2, p0  }
0x20: {  	[sflag:s8] =	ssyncset.s32 @!p0 $0xFFFFF086;
	s6 =	sadd.s32 @!p0 s3, s7;
	s7 =	simm.s32 @!p0 $0x108  }
0x21: {  	s3 =	sadd.s32 s3, s9;
	s6 =	sadd.s32 @!p0 $0x88, s6;
	s7 =	simm.s32 @p2 $0x1082  }
0x22: {  	[simem:s7], [sflag:s8] =	dma.local @!p0 [hbm:s6], $0xF7A  }
0x23: {  	s9 =	sor.u32 $0xD0000000, s2;
	s6 =	simm.s32 $0x108;
	_ =	swait.ge @!p0 [sflag:s8], $0x0  }
0x24: {  	s3 =	sadd.s32 $0x88, s3;
	s6 =	simm.s32 @!p1 $0x1082;
	[sflag:s4] =	ssyncset.s32 $0xFFFFF086  }
0x25: {  	[simem:s6], [sflag:s4] =	dma.local [hbm:s3], $0xF7A  }
0x26: {  	[smem:$0x3F9F] =	sst s1;
	(tag) =	ssettag s2;
	_ =	strace s9  }
0x27: {  	s1 =	sld [smem:$0x3FAF]  }
0x28: {  	s2 =	sld [smem:$0x3FB0]  }
0x29: {  	s4 =	sld [smem:$0x3FB2]  }
0x2a: {  	p0 =	seq.s32 s5, $0x0;
	s5 =	sld [smem:$0x3FB3]  }
0x2b: {  	s6 =	sld [smem:$0x3FB4]  }
0x2c: {  	s7 =	sld [smem:$0x3FB5]  }
0x2d: {  	s3 =	simm.s32 $0x108;
	s8 =	sld [smem:$0x3FB6]  }
0x2e: {  	s3 =	simm.s32 @!p0 $0x1082;
	s9 =	sld [smem:$0x3FB7]  }
0x2f: {  	lr =	sadd.s32 s0, s3;
	s0 =	sld [smem:$0x3FAE]  }
0x30: {  	s3 =	sld [smem:$0x3FB1]  }
0x31: {  	[smem:$0x3FBA] =	sst s10  }
0x32: {  	s10 =	sld [smem:$0x3FB8];
	_ =	sdelay $0x3  }
0x33: {  	p0 =	seq.s32 s10, $0x1;
	s10 =	sld [smem:$0x3FBA];
	_ =	sdelay $0x3  }
0x34: {  	[smem:$0x3FBA] =	sst s10  }
0x35: {  	s10 =	sld [smem:$0x3FB9];
	_ =	sdelay $0x3  }
0x36: {  	p1 =	seq.s32 s10, $0x1;
	s10 =	sld [smem:$0x3FBA];
	_ =	sdelay $0x3  }
0x37: {  	[smem:$0x3FBA] =	sst s10  }
0x38: {  	s10 =	sld [smem:$0x3FBB]  }
0x39: {  	_ = 	snop;
	(pc) =	sbr.ind lr, $3  }
0x3a: {  	_ = 	snop  }
0x3b: {  	_ = 	snop  }
0x3c: {  	p2 =	seq.s32 s10, $0x1;
	s10 =	sld [smem:$0x3FBA]  }
0x3d: {  	_ =	shalt  }
0x3e: {  	_ =	shalt  }
0x3f: {  	_ =	shalt  }
0x40: {  	_ =	shalt  }
0x41: {  	_ =	shalt  }
0x42: {  	_ =	shalt  }
0x43: {  	_ =	shalt  }
0x44: {  	_ =	shalt  }
0x45: {  	_ =	shalt  }
0x46: {  	_ =	shalt  }
0x47: {  	_ =	shalt  }
0x48: {  	_ =	shalt  }
0x49: {  	_ =	shalt  }
0x4a: {  	_ =	shalt  }
0x4b: {  	_ =	shalt  }
0x4c: {  	_ =	shalt  }
0x4d: {  	_ =	shalt  }
0x4e: {  	_ =	shalt  }
0x4f: {  	_ =	shalt  }
0x50: {  	_ =	shalt  }
0x51: {  	_ =	shalt  }
0x52: {  	_ =	shalt  }
0x53: {  	_ =	shalt  }
0x54: {  	_ =	shalt  }
0x55: {  	_ =	shalt  }
0x56: {  	_ =	shalt  }
0x57: {  	_ =	shalt  }
0x58: {  	_ =	shalt  }
0x59: {  	_ =	shalt  }
0x5a: {  	_ =	shalt  }
0x5b: {  	_ =	shalt  }
0x5c: {  	_ =	shalt  }
0x5d: {  	_ =	shalt  }
0x5e: {  	_ =	shalt  }
0x5f: {  	_ =	shalt  }
0x60: {  	_ =	shalt  }
0x61: {  	_ =	shalt  }
0x62: {  	_ =	shalt  }
0x63: {  	_ =	shalt  }
0x64: {  	_ =	shalt  }
0x65: {  	_ =	shalt  }
0x66: {  	_ =	shalt  }
0x67: {  	_ =	shalt  }
0x68: {  	_ =	shalt  }
0x69: {  	_ =	shalt  }
0x6a: {  	_ =	shalt  }
0x6b: {  	_ =	shalt  }
0x6c: {  	_ =	shalt  }
0x6d: {  	_ =	shalt  }
0x6e: {  	_ =	shalt  }
0x6f: {  	_ =	shalt  }
0x70: {  	_ =	shalt  }
0x71: {  	_ =	shalt  }
0x72: {  	_ =	shalt  }
0x73: {  	_ =	shalt  }
0x74: {  	_ =	shalt  }
0x75: {  	_ =	shalt  }
0x76: {  	_ =	shalt  }
0x77: {  	_ =	shalt  }
0x78: {  	_ =	shalt  }
0x79: {  	_ =	shalt  }
0x7a: {  	_ =	shalt  }
0x7b: {  	_ =	shalt  }
0x7c: {  	_ =	shalt  }
0x7d: {  	_ =	shalt  }
0x7e: {  	_ =	shalt  }
0x7f: {  	_ =	shalt  }
0x80: {  	_ =	shalt  }
0x81: {  	_ =	shalt  }
0x82: {  	_ =	shalt  }
0x83: {  	_ =	shalt  }
0x84: {  	_ =	shalt  }
0x85: {  	_ =	shalt  }
0x86: {  	_ =	shalt  }
0x87: {  	_ =	shalt  }
.Lfunc_end0:
.L_simem_size_0:
called_computation_lowered:
.L_overlay_start_0:
0x88: {  	s2 =	sld [smem:$0x3FD9]  }
0x89: {  	s3 =	sld [smem:$0x3FFE];
	_ =	sdelay $0x1  }
0x8a: {  	s1 =	srdreg.scid  }
0x8b: {  	s0 =	sand.u32 $0x1, s1  }
0x8c: {  	s17 =	sshll.u32 s0, $0xA;
	s2 =	sadd.s32 s3, s2  }
0x8d: {  	s2 =	sadd.s32 s2, s17  }
0x8e: {  	[smem:$0x3FC6] =	sst s2  }
0x8f: {  	_ = 	snop  }
0x90: {  	s2 =	sld [smem:$0x3FC8]  }
0x91: {  	s18 =	sld [smem:$0x3FD0];
	(tm) =	ssettm $0x1  }
0x92: {  	s4 =	sld [smem:$0x3FFB];
	_ =	sdelay $0x3  }
0x93: {  	_ =	strace s4  }
0x94: {  	s4 =	sld [smem:$0x3FFC];
	_ =	sdelay $0x3  }
0x95: {  	_ =	strace s4  }
0x96: {  	s4 =	sld [smem:$0x3FFD];
	_ =	sdelay $0x3  }
0x97: {  	_ =	strace s4  }
0x98: {  	_ =	strace $0x8FFFFFFF  }
0x99: {  	s19 =	sld [smem:$0x3FDB];
	_ =	sdelay $0x1  }
0x9a: {  	s5 =	simm.s32 $_scs_section_size  }
0x9b: {  	s6 =	simm.s32 $_size__tile_overlayer_lowered;
	s7 =	simm.s32 $_tile_overlayer_lowered  }
0x9c: {  	s22 =	simm.s32 $0x1BFF;
	s21 =	sshll.u32 s7, $0x1;
	s4 =	sadd.s32 s5, s19  }
0x9d: {  	s8 =	simm.s32 $0x0;
	s20 =	sshll.u32 s6, $0x1;
	s6 =	sadd.s32 s21, s4  }
0x9e: {  	[timem:s8], [sflag:s22] =	dma.local [hbm:s6], s20  }
0x9f: {  	_ =	swait.ge [sflag:s22], s20  }
0xa0: {  	s5 =	ssub.s32 $0x0, s20;
	[sflag:s22] =	ssyncset.done $0x0  }
0xa1: {  	[sflag:s22] =	ssyncadd.s32 s5;
	_ =	sdelay $0x1  }
0xa2: {  	s23 =	simm.s32 $0x1B8B  }
0xa3: {  	_ =	swait.ge [sflag:s23], $0x1  }
0xa4: {  	[sflag:s23] =	ssyncset.done $0x0  }
0xa5: {  	s25 =	simm.s32 $0x1B8E;
	s24 =	sld [smem:$0x3FFE];
	[sflag:s23] =	ssyncadd.s32 $0xFFFFFFFF  }
0xa6: {  	s26 =	simm.s32 $execute0_lowered;
	[smem:$0x3FD2] =	sst s25  }
0xa7: {  	s6 =	sshll.u32 s26, $0x1;
	_ =	strace $0x80000046;
	[dreg:$0x1] =	wrdreg $0xFFFFFFFF  }
0xa8: {  	s28 =	simm.s32 $_size_execute0_lowered;
	s4 =	sadd.s32 s4, s6;
	[dreg:$0x0] =	wrdreg $0x0  }
0xa9: {  	s6 =	sshll.u32 s28, $0x1;
	[dreg:$0x2] =	wrdreg s4  }
0xaa: {  	[dreg:$0x3] =	wrdreg s6  }
0xab: {  	[dreg:$0x4] =	wrdreg $0xC0  }
0xac: {  	_ =	task [dreg:s8], $0x5FFFF  }
0xad: {  	[dreg:$0x1] =	wrdreg $0xFFFFFFFF  }
0xae: {  	[dreg:$0x0] =	wrdreg $0x60  }
0xaf: {  	[dreg:$0x2] =	wrdreg s2  }
0xb0: {  	[dreg:$0x3] =	wrdreg s24  }
0xb1: {  	[dreg:$0x4] =	wrdreg s18  }
0xb2: {  	[dreg:$0x5] =	wrdreg $0x64000  }
0xb3: {  	[dreg:$0x6] =	wrdreg $0x9  }
0xb4: {  	_ =	task.clear_ibuf [dreg:s8], $0x7FFFF;
	_ =	strace $0x90000046  }
0xb5: {  	s29 =	simm.s32 $0x9;
	_ =	strace $0x80000048  }
0xb6: {  	_ =	swait.ge [sflag:s29], $0x1  }
0xb7: {  	[sflag:s29] =	ssyncadd.s32 $0xFFFFFFFF  }
0xb8: {  	_ =	strace $0x90000048  }
0xb9: {  	_ =	sfence  }
0xba: {  	s30 =	sld [smem:$0x0];
	_ =	sdelay $0x2  }
0xbb: {  	s31 =	sshll.u32 s1, $0xD;
	s1 =	sshrl.u32 s1, $0x2  }
0xbc: {  	s3 =	sand.u32 $0x4000, s31;
	s1 =	sadd.s32 s1, s30  }
0xbd: {  	s0 =	sor.u32 s3, s0;
	s1 =	sshll.u32 s1, $0x11  }
0xbe: {  	s0 =	sor.u32 s1, s0  }
0xbf: {  	s0 =	sadd.s32 $0x8F2B, s0  }
0xc0: {  	[sflag:s0] =	ssyncadd.remote.s32 $0x1  }
0xc1: {  	_ =	sfence.sel $0xFFFF  }
0xc2: {  	[dreg:$0x0] =	wrdreg $0xFFFFFFFF;
	(pc) =	sbr.abs _section_cstart, $3  }
0xc3: {  	[dreg:$0x1] =	wrdreg $0xFFFFFFFF  }
0xc4: {  	_ =	task.clear_ibuf [dreg:s8], $0x2FFFF;
	_ =	strace $0x9FFFFFFF  }
0xc5: {  	(tm) =	ssettm $0x7FFFFFFF  }
tec
execute0_lowered:
.L_overlay_start_1:
0x0: {  	(tag) =	ssettag $0x1  }
0x1: {  	s0 =	rddreg [dreg:$0x1]  }
0x2: {  	s1 =	srdreg.scid;
	s5 =	rddreg [dreg:$0x2]  }
0x3: {  	s4 =	stileid.u32;
	s2 =	rddreg [dreg:$0x3];
	s13 =	simm.s32 $0x80  }
0x4: {  	s14 =	simm.s32 $0x8340;
	s15 =	simm.s32 $0xC340;
	s16 =	simm.s32 $0x10340  }
0x5: {  	s17 =	simm.s32 $0x1;
	s18 =	simm.s32 $0x14340;
	s19 =	simm.s32 $0x2  }
0x6: {  	s20 =	simm.s32 $0x18340;
	s30 =	simm.s32 $0x0;
	s8 =	smul.u32 $0x640000, s4  }
0x7: {  	s1 =	sand.u32 $0x1, s1;
	s3 =	sshll.u32 s4, $0x1;
	s22 =	smul.u32 $0xC8000, s4  }
0x8: {  	p0 =	sne.s32 s4, $0x0;
	s6 =	sor.u32 s1, s3;
	s10 =	smul.u32 $0x320000, s1  }
0x9: {  	s3 =	simm.s32 $0x0;
	s7 =	ssub.s32 $0x2, s1;
	s1 =	smul.u32 $0x64000, s1  }
0xa: {  	s6 =	smul.u32 $0x6400, s6;
	[smem:$0x7FF] =	sst s3;
	s9 =	sshrl.u32 s7, $0x1  }
0xb: {  	_ =	strace $0x80000047;
	s21 =	ssub.s32 s7, s9;
	s23 =	sadd.s32 s10, s8  }
0xc: {  	s6 =	sshrl.u32 s6, $0x3;
	s24 =	sor.u32 $0x10000, s23;
	s26 =	sor.u32 $0xC000, s23  }
0xd: {  	s29 =	sor.u32 $0x8000, s23;
	s31 =	sor.u32 $0x4000, s23;
	s0 =	sadd.s32 s6, s0  }
0xe: {  	s23 =	simm.s32 $0x5;
	s6 =	smax.u32 s21, $0x1;
	s0 =	sadd.s32 $0x400, s0  }
0xf: {  	s25 =	sshrl.u32 s24, $0x3;
	[dreg:$0x5] =	wrdreg s0;
	s0 =	sadd.s32 s22, s5  }
0x10: {  	s28 =	sshrl.u32 s26, $0x3;
	[dreg:$0x6] =	wrdreg s6;
	s0 =	sadd.s32 s1, s0  }
0x11: {  	s21 =	simm.s32 $0x3;
	[dreg:$0x7] =	wrdreg s0;
	s0 =	sadd.s32 s28, s5  }
0x12: {  	s24 =	sadd.s32 s25, s5;
	[dreg:$0x8] =	wrdreg s0;
	s0 =	sshrl.u32 s29, $0x3  }
0x13: {  	s1 =	sshrl.u32 s31, $0x3;
	s9 =	sadd.s32 s0, s5;
	s0 =	sshrl.u32 @!p0 s2, $0x3  }
0x14: {  	s22 =	simm.s32 $0x4;
	s10 =	sadd.s32 s1, s5;
	[dreg:$0x9] =	wrdreg s0  }
.LBB2_1:
0x15: {  	s1 =	rddreg [dreg:$0x0]  }
0x16: {  	s0 =	simm.s32 @!p0 $0x1C0B;
	s4 =	rddreg [dreg:$0x9]  }
0x17: {  	[spmem:s4], [sflag:s0] =	dma.local @!p0 [hbm:s1], $0x3E80  }
0x18: {  	s0 =	simm.s32 @!p0 $0xB  }
0x19: {  	_ =	swait.ge @!p0 [sflag:s0], $0x3E80  }
0x1a: {  	[sflag:s0] =	ssyncset.done @!p0 $0x0  }
0x1b: {  	s25 =	simm.s32 $0xB;
	s12 =	rddreg [dreg:$0x5];
	[sflag:s0] =	ssyncadd.s32 @!p0 $0xFFFFC180  }
0x1c: {  	[tilespmem:s3], [sflag:$0xB] =	stream.linear.gather [hbm4b:s12+s3], $0x6400, $0x38;
	[tilespmem:$0x1C340] =	vst v63  }
0x1d: {  	_ =	swait.ge [sflag:s25], $0x6400  }
0x1e: {  	[sflag:s25] =	ssyncset.done $0x0  }
0x1f: {  	[sflag:s25] =	ssyncadd.s32 $0xFFFF9C00  }
0x20: {  	p1 =	por $0x1, $0x1;
	[bflag:$0x0] =	sbarrier.arrive $0xFFFF  }
0x21: {  	[tilespmem:s14], [sflag:$0x1] =	stream.indirect.gather [spmem:s2], $0x80, s3, s13, $0xb8;
	[tilespmem:$0x1C340] =	vst v63  }
0x22: {  	s0 =	simm.s32 @!p1 $0x8  }
0x23: {  	[tilespmem:s15], [sflag:$0x2] =	stream.indirect.gather [spmem:s2], $0x80, s13, s13, $0xb8;
	[tilespmem:$0x1C340] =	vst v63  }
0x24: {  	_ =	swait.ge @!p1 [sflag:s0], $0x4000  }
0x25: {  	[sflag:s0] =	ssyncset.done @!p1 $0x0  }
0x26: {  	s26 =	simm.s32 $0x100;
	[sflag:s0] =	ssyncadd.s32 @!p1 $0xFFFFC000  }
0x27: {  	[tilespmem:s16], [sflag:$0x3] =	stream.indirect.gather [spmem:s2], $0x80, s26, s13, $0xb8;
	[tilespmem:$0x1C340] =	vst v63  }
0x28: {  	_ =	swait.ge [sflag:s17], $0x4000  }
0x29: {  	[sflag:s17] =	ssyncset.done $0x0  }
0x2a: {  	s0 =	simm.s32 @!p1 $0x9;
	s6 =	rddreg [dreg:$0x7];
	[sflag:s17] =	ssyncadd.s32 $0xFFFFC000  }
0x2b: {  	[hbm4b:s6+s3] =	stream.linear.scatter [tilespmem:s14], [sflag:$0x6], $0x4000, $0x38;
	[tilespmem:$0x1C340] =	vst v63  }
0x2c: {  	_ =	swait.ge @!p1 [sflag:s0], $0x4000  }
0x2d: {  	[sflag:s0] =	ssyncset.done @!p1 $0x0  }
0x2e: {  	s28 =	simm.s32 $0x180;
	[sflag:s0] =	ssyncadd.s32 @!p1 $0xFFFFC000  }
0x2f: {  	[tilespmem:s18], [sflag:$0x4] =	stream.indirect.gather [spmem:s2], $0x80, s28, s13, $0xb8;
	[tilespmem:$0x1C340] =	vst v63  }
0x30: {  	_ =	swait.ge [sflag:s19], $0x4000  }
0x31: {  	[sflag:s19] =	ssyncset.done $0x0  }
0x32: {  	s0 =	simm.s32 @!p1 $0xA;
	[sflag:s19] =	ssyncadd.s32 $0xFFFFC000  }
0x33: {  	[hbm4b:s10+s3] =	stream.linear.scatter [tilespmem:s15], [sflag:$0x7], $0x4000, $0x38;
	[tilespmem:$0x1C340] =	vst v63  }
0x34: {  	_ =	swait.ge @!p1 [sflag:s0], $0x4000  }
0x35: {  	[sflag:s0] =	ssyncset.done @!p1 $0x0  }
0x36: {  	s29 =	simm.s32 $0x200;
	[sflag:s0] =	ssyncadd.s32 @!p1 $0xFFFFC000  }
0x37: {  	[tilespmem:s20], [sflag:$0x5] =	stream.indirect.gather [spmem:s2], $0x80, s29, s13, $0xb8;
	[tilespmem:$0x1C340] =	vst v63  }
0x38: {  	_ =	swait.ge [sflag:s21], $0x4000  }
0x39: {  	p1 =	por $0x0, $0x0;
	[sflag:s21] =	ssyncset.done $0x0  }
0x3a: {  	s0 =	simm.s32 @!p1 $0x6;
	[sflag:s21] =	ssyncadd.s32 $0xFFFFC000  }
0x3b: {  	[hbm4b:s9+s3] =	stream.linear.scatter [tilespmem:s16], [sflag:$0x8], $0x4000, $0x38;
	[tilespmem:$0x1C340] =	vst v63  }
0x3c: {  	_ =	swait.ge @!p1 [sflag:s0], $0x4000  }
0x3d: {  	s1 =	simm.s32 @!p1 $0x280;
	[sflag:s0] =	ssyncset.done @!p1 $0x0  }
0x3e: {  	s7 =	simm.s32 @!p1 $0x80;
	s4 =	simm.s32 @!p1 $0x8340;
	[sflag:s0] =	ssyncadd.s32 @!p1 $0xFFFFC000  }
0x3f: {  	[tilespmem:s4], [sflag:$0x1] =	stream.indirect.gather @!p1 [spmem:s2], $0x80, s1, s7, $0xb8;
	[tilespmem:$0x1C340] =	vst v63  }
0x40: {  	_ =	swait.ge [sflag:s22], $0x4000  }
0x41: {  	[sflag:s22] =	ssyncset.done $0x0  }
0x42: {  	s0 =	simm.s32 @!p1 $0x7;
	s8 =	rddreg [dreg:$0x8];
	[sflag:s22] =	ssyncadd.s32 $0xFFFFC000  }
0x43: {  	[hbm4b:s8+s3] =	stream.linear.scatter [tilespmem:s18], [sflag:$0x9], $0x4000, $0x38;
	[tilespmem:$0x1C340] =	vst v63  }
0x44: {  	s5 =	sadd.s32 $0x2800, s10;
	s31 =	sadd.s32 $0x2800, s24;
	_ =	swait.ge @!p1 [sflag:s0], $0x4000  }
0x45: {  	p2 =	por $0x0, $0x0;
	s12 =	simm.s32 $0x1400;
	[sflag:s0] =	ssyncset.done @!p1 $0x0  }
0x46: {  	s11 =	simm.s32 @!p1 $0xC340;
	s1 =	simm.s32 @!p1 $0x300;
	[sflag:s0] =	ssyncadd.s32 @!p1 $0xFFFFC000  }
0x47: {  	[tilespmem:s11], [sflag:$0x2] =	stream.indirect.gather @!p1 [spmem:s2], $0x80, s1, s7, $0xb8;
	[tilespmem:$0x1C340] =	vst v63  }
0x48: {  	s4 =	simm.s32 $0xA00;
	s0 =	sadd.s32 $0x2800, s9;
	s1 =	sadd.s32 $0x2800, s8  }
0x49: {  	s11 =	sadd.s32 $0x2800, s6;
	s7 =	smov.u32 s24;
	_ =	swait.ge [sflag:s23], $0x4000  }
.LBB2_2:
0x4a: {  	s26 =	simm.s32 @!p2 $0x8  }
0x4b: {  	[sflag:s23] =	ssyncset.done $0x0;
	s25 =	smov.u32 s12;
	s12 =	sadd.s32 $0xA00, s12  }
0x4c: {  	p1 =	sne.s32 s12, $0x19000;
	[sflag:s23] =	ssyncadd.s32 $0xFFFFC000  }
0x4d: {  	[hbm4b:s7+s3] =	stream.linear.scatter [tilespmem:s20], [sflag:$0xA], $0x4000, $0x38;
	[tilespmem:$0x1C340] =	vst v63  }
0x4e: {  	s28 =	sshra.s32 s4, $0x2;
	s7 =	smov.u32 s31;
	_ =	swait.ge @!p2 [sflag:s26], $0x4000  }
0x4f: {  	s29 =	sadd.s32 $0x100, s28;
	[sflag:s26] =	ssyncset.done @!p2 $0x0  }
0x50: {  	[sflag:s26] =	ssyncadd.s32 @!p2 $0xFFFFC000  }
0x51: {  	[tilespmem:s16], [sflag:$0x3] =	stream.indirect.gather [spmem:s2], $0x80, s29, s13, $0xb8;
	[tilespmem:$0x1C340] =	vst v63  }
0x52: {  	_ =	swait.ge [sflag:s17], $0x4000  }
0x53: {  	s26 =	simm.s32 @!p2 $0x9;
	[sflag:s17] =	ssyncset.done $0x0  }
0x54: {  	[sflag:s17] =	ssyncadd.s32 $0xFFFFC000  }
0x55: {  	[hbm4b:s11+s3] =	stream.linear.scatter [tilespmem:s14], [sflag:$0x6], $0x4000, $0x38;
	[tilespmem:$0x1C340] =	vst v63  }
0x56: {  	_ =	swait.ge @!p2 [sflag:s26], $0x4000  }
0x57: {  	s29 =	sadd.s32 $0x180, s28;
	[sflag:s26] =	ssyncset.done @!p2 $0x0  }
0x58: {  	[sflag:s26] =	ssyncadd.s32 @!p2 $0xFFFFC000  }
0x59: {  	[tilespmem:s18], [sflag:$0x4] =	stream.indirect.gather [spmem:s2], $0x80, s29, s13, $0xb8;
	[tilespmem:$0x1C340] =	vst v63  }
0x5a: {  	_ =	swait.ge [sflag:s19], $0x4000  }
0x5b: {  	s26 =	simm.s32 @!p2 $0xA;
	[sflag:s19] =	ssyncset.done $0x0  }
0x5c: {  	[sflag:s19] =	ssyncadd.s32 $0xFFFFC000  }
0x5d: {  	[hbm4b:s5+s3] =	stream.linear.scatter [tilespmem:s15], [sflag:$0x7], $0x4000, $0x38;
	[tilespmem:$0x1C340] =	vst v63  }
0x5e: {  	_ =	swait.ge @!p2 [sflag:s26], $0x4000  }
0x5f: {  	s28 =	sadd.s32 $0x200, s28;
	[sflag:s26] =	ssyncset.done @!p2 $0x0  }
0x60: {  	[sflag:s26] =	ssyncadd.s32 @!p2 $0xFFFFC000  }
0x61: {  	[tilespmem:s20], [sflag:$0x5] =	stream.indirect.gather [spmem:s2], $0x80, s28, s13, $0xb8;
	[tilespmem:$0x1C340] =	vst v63  }
0x62: {  	_ =	swait.ge [sflag:s21], $0x4000  }
0x63: {  	p2 =	seq.s32 s4, $0x18600;
	[sflag:s21] =	ssyncset.done $0x0  }
0x64: {  	s26 =	simm.s32 @!p2 $0x6;
	s4 =	sshra.s32 @!p2 s4, $0x2;
	[sflag:s21] =	ssyncadd.s32 $0xFFFFC000  }
0x65: {  	[hbm4b:s0+s3] =	stream.linear.scatter [tilespmem:s16], [sflag:$0x8], $0x4000, $0x38;
	[tilespmem:$0x1C340] =	vst v63  }
0x66: {  	s28 =	sadd.s32 @!p2 $0x280, s4;
	s29 =	sadd.s32 @!p2 $0x300, s4;
	_ =	swait.ge @!p2 [sflag:s26], $0x4000  }
0x67: {  	s6 =	simm.s32 @!p2 $0x80;
	s8 =	simm.s32 @!p2 $0x8340;
	[sflag:s26] =	ssyncset.done @!p2 $0x0  }
0x68: {  	s4 =	smov.u32 s25;
	[sflag:s26] =	ssyncadd.s32 @!p2 $0xFFFFC000  }
0x69: {  	[tilespmem:s8], [sflag:$0x1] =	stream.indirect.gather @!p2 [spmem:s2], $0x80, s28, s6, $0xb8;
	[tilespmem:$0x1C340] =	vst v63  }
0x6a: {  	_ =	swait.ge [sflag:s22], $0x4000  }
0x6b: {  	[sflag:s22] =	ssyncset.done $0x0  }
0x6c: {  	s8 =	simm.s32 @!p2 $0x7;
	[sflag:s22] =	ssyncadd.s32 $0xFFFFC000  }
0x6d: {  	[hbm4b:s1+s3] =	stream.linear.scatter [tilespmem:s18], [sflag:$0x9], $0x4000, $0x38;
	[tilespmem:$0x1C340] =	vst v63  }
.Ltmp0:
0x6e: {  	s5 =	sadd.s32 $0x2800, s5;
	_ =	swait.ge @!p2 [sflag:s8], $0x4000;
	(pc) =	sbr.rel @p1 .LBB2_2-.Ltmp0, $4  }
0x6f: {  	s25 =	simm.s32 @!p2 $0xC340;
	s0 =	sadd.s32 $0x2800, s0;
	[sflag:s8] =	ssyncset.done @!p2 $0x0  }
0x70: {  	s31 =	sadd.s32 $0x2800, s31;
	s1 =	sadd.s32 $0x2800, s1;
	[sflag:s8] =	ssyncadd.s32 @!p2 $0xFFFFC000  }
0x71: {  	[tilespmem:s25], [sflag:$0x2] =	stream.indirect.gather @!p2 [spmem:s2], $0x80, s29, s6, $0xb8;
	[tilespmem:$0x1C340] =	vst v63  }
0x72: {  	s11 =	sadd.s32 $0x2800, s11;
	p2 =	seq.s32 s4, $0x0;
	_ =	swait.ge [sflag:s23], $0x4000  }
0x73: {  	[sflag:s23] =	ssyncset.done $0x0  }
0x74: {  	s6 =	simm.s32 @!p2 $0x8;
	[sflag:s23] =	ssyncadd.s32 $0xFFFFC000  }
0x75: {  	[hbm4b:s7+s3] =	stream.linear.scatter [tilespmem:s20], [sflag:$0xA], $0x4000, $0x38;
	[tilespmem:$0x1C340] =	vst v63  }
0x76: {  	_ =	swait.ge @!p2 [sflag:s6], $0x4000  }
0x77: {  	s28 =	sshra.s32 s4, $0x2;
	[sflag:s6] =	ssyncset.done @!p2 $0x0  }
0x78: {  	s29 =	sadd.s32 $0x100, s28;
	[sflag:s6] =	ssyncadd.s32 @!p2 $0xFFFFC000  }
0x79: {  	[tilespmem:s16], [sflag:$0x3] =	stream.indirect.gather [spmem:s2], $0x80, s29, s13, $0xb8;
	[tilespmem:$0x1C340] =	vst v63  }
0x7a: {  	_ =	swait.ge [sflag:s17], $0x4000  }
0x7b: {  	[sflag:s17] =	ssyncset.done $0x0  }
0x7c: {  	s6 =	simm.s32 @!p2 $0x9;
	[sflag:s17] =	ssyncadd.s32 $0xFFFFC000  }
0x7d: {  	[hbm4b:s11+s3] =	stream.linear.scatter [tilespmem:s14], [sflag:$0x6], $0x4000, $0x38;
	[tilespmem:$0x1C340] =	vst v63  }
0x7e: {  	_ =	swait.ge @!p2 [sflag:s6], $0x4000  }
0x7f: {  	[sflag:s6] =	ssyncset.done @!p2 $0x0  }
0x80: {  	s8 =	sadd.s32 $0x180, s28;
	[sflag:s6] =	ssyncadd.s32 @!p2 $0xFFFFC000  }
0x81: {  	[tilespmem:s18], [sflag:$0x4] =	stream.indirect.gather [spmem:s2], $0x80, s8, s13, $0xb8;
	[tilespmem:$0x1C340] =	vst v63  }
0x82: {  	_ =	swait.ge [sflag:s19], $0x4000  }
0x83: {  	[sflag:s19] =	ssyncset.done $0x0  }
0x84: {  	[sflag:s19] =	ssyncadd.s32 $0xFFFFC000  }
0x85: {  	[hbm4b:s5+s3] =	stream.linear.scatter [tilespmem:s15], [sflag:$0x7], $0x4000, $0x38;
	[tilespmem:$0x1C340] =	vst v63  }
0x86: {  	s5 =	simm.s32 @!p2 $0xA  }
0x87: {  	_ =	swait.ge @!p2 [sflag:s5], $0x4000  }
0x88: {  	[sflag:s5] =	ssyncset.done @!p2 $0x0  }
0x89: {  	s11 =	sadd.s32 $0x200, s28;
	[sflag:s5] =	ssyncadd.s32 @!p2 $0xFFFFC000  }
0x8a: {  	[tilespmem:s20], [sflag:$0x5] =	stream.indirect.gather [spmem:s2], $0x80, s11, s13, $0xb8;
	[tilespmem:$0x1C340] =	vst v63  }
0x8b: {  	_ =	swait.ge [sflag:s21], $0x4000  }
0x8c: {  	p1 =	seq.s32 s4, $0x18600;
	[sflag:s21] =	ssyncset.done $0x0  }
0x8d: {  	s5 =	simm.s32 @!p1 $0x6;
	[sflag:s21] =	ssyncadd.s32 $0xFFFFC000  }
0x8e: {  	[hbm4b:s0+s3] =	stream.linear.scatter [tilespmem:s16], [sflag:$0x8], $0x4000, $0x38;
	[tilespmem:$0x1C340] =	vst v63  }
0x8f: {  	_ =	swait.ge @!p1 [sflag:s5], $0x4000  }
0x90: {  	s6 =	simm.s32 @!p1 $0x80;
	s0 =	sshra.s32 @!p1 s4, $0x2;
	[sflag:s5] =	ssyncset.done @!p1 $0x0  }
0x91: {  	s4 =	sadd.s32 @!p1 $0x280, s0;
	[sflag:s5] =	ssyncadd.s32 @!p1 $0xFFFFC000;
	s5 =	simm.s32 @!p1 $0x8340  }
0x92: {  	[tilespmem:s5], [sflag:$0x1] =	stream.indirect.gather @!p1 [spmem:s2], $0x80, s4, s6, $0xb8;
	[tilespmem:$0x1C340] =	vst v63  }
0x93: {  	_ =	swait.ge [sflag:s22], $0x4000  }
0x94: {  	[sflag:s22] =	ssyncset.done $0x0  }
0x95: {  	[sflag:s22] =	ssyncadd.s32 $0xFFFFC000  }
0x96: {  	[hbm4b:s1+s3] =	stream.linear.scatter [tilespmem:s18], [sflag:$0x9], $0x4000, $0x38;
	[tilespmem:$0x1C340] =	vst v63  }
0x97: {  	s1 =	simm.s32 @!p1 $0x7  }
0x98: {  	_ =	swait.ge @!p1 [sflag:s1], $0x4000  }
0x99: {  	[sflag:s1] =	ssyncset.done @!p1 $0x0  }
0x9a: {  	s0 =	sadd.s32 @!p1 $0x300, s0;
	[sflag:s1] =	ssyncadd.s32 @!p1 $0xFFFFC000;
	s1 =	simm.s32 @!p1 $0xC340  }
0x9b: {  	[tilespmem:s1], [sflag:$0x2] =	stream.indirect.gather @!p1 [spmem:s2], $0x80, s0, s6, $0xb8;
	[tilespmem:$0x1C340] =	vst v63  }
0x9c: {  	_ =	swait.ge [sflag:s23], $0x4000  }
0x9d: {  	[sflag:s23] =	ssyncset.done $0x0  }
0x9e: {  	s12 =	simm.s32 $0x6;
	[sflag:s23] =	ssyncadd.s32 $0xFFFFC000  }
0x9f: {  	[hbm4b:s31+s3] =	stream.linear.scatter [tilespmem:s20], [sflag:$0xA], $0x4000, $0x38;
	[tilespmem:$0x1C340] =	vst v63  }
0xa0: {  	_ =	swait.ge [sflag:s12], $0x4000  }
0xa1: {  	[sflag:s12] =	ssyncset.done $0x0  }
0xa2: {  	s25 =	simm.s32 $0x7;
	[sflag:s12] =	ssyncadd.s32 $0xFFFFC000  }
0xa3: {  	_ =	swait.ge [sflag:s25], $0x4000  }
0xa4: {  	[sflag:s25] =	ssyncset.done $0x0  }
0xa5: {  	s26 =	simm.s32 $0x8;
	[sflag:s25] =	ssyncadd.s32 $0xFFFFC000  }
0xa6: {  	_ =	swait.ge [sflag:s26], $0x4000  }
0xa7: {  	[sflag:s26] =	ssyncset.done $0x0  }
0xa8: {  	s28 =	simm.s32 $0x9;
	[sflag:s26] =	ssyncadd.s32 $0xFFFFC000  }
0xa9: {  	_ =	swait.ge [sflag:s28], $0x4000  }
0xaa: {  	[sflag:s28] =	ssyncset.done $0x0  }
0xab: {  	s29 =	simm.s32 $0xA;
	[sflag:s28] =	ssyncadd.s32 $0xFFFFC000  }
0xac: {  	_ =	swait.ge [sflag:s29], $0x4000  }
0xad: {  	s30 =	sadd.s32 $0x1, s30;
	s31 =	rddreg [dreg:$0x6]  }
0xae: {  	p1 =	sne.s32 s30, s31  }
.Ltmp1:
0xaf: {  	_ = 	snop;
	(pc) =	sbr.rel @p1 .LBB2_1-.Ltmp1, $3  }
0xb0: {  	_ =	sdelay $0x1  }
0xb1: {  	[sflag:s29] =	ssyncset.done $0x0  }
0xb2: {  	[sflag:s29] =	ssyncadd.s32 $0xFFFFC000  }
0xb3: {  	_ =	sfence.sel $0x180000  }
0xb4: {  	[bflag:$0x0] =	sbarrier.arrive $0xFFFF  }
0xb5: {  	_ =	strace $0x90000047  }
0xb6: {  	[bflag:$0x2] =	sbarrier.arrive $0xFFFF  }
0xb7: {  	s0 =	rddreg [dreg:$0x4]  }
0xb8: {  	s0 =	sadd.s32 @!p0 $0x100000, s0  }
0xb9: {  	[sflag:s0] =	ssyncadd.tile.s32 @!p0 $0x1;
	_ =	shalt  }
.Lfunc_end2:
_tile_overlayer_lowered:
.L_overlay_start_2:
0xba: {  	(tag) =	ssettag $0x2  }
0xbb: {  	s0 =	rddreg [dreg:$0x0];
	s2 =	stileid.u32  }
0xbc: {  	s1 =	rddreg [dreg:$0x1];
	p0 =	sne.s32 s2, $0x0  }
0xbd: {  	s3 =	rddreg [dreg:$0x2];
	[bflag:$0x3] =	sbarrier.arrive $0xFFFF;
	s2 =	simm.s32 @!p0 $0x1C0B  }
0xbe: {  	[timem:s3], [sflag:s2] =	dma.local @!p0 [hbm:s0], s1  }
0xbf: {  	s0 =	simm.s32 @!p0 $0xB  }
0xc0: {  	_ =	swait.ge @!p0 [sflag:s0], s1  }
0xc1: {  	s1 =	ssub.s32 @!p0 $0x0, s1;
	[sflag:s0] =	ssyncset.done @!p0 $0x0  }
0xc2: {  	[sflag:s0] =	ssyncadd.s32 @!p0 s1  }
0xc3: {  	[bflag:$0x3] =	sbarrier.arrive $0xFFFF  }
0xc4: {  	_ =	shalt  }

</sc_bundles>
